<compile_context>
chip_gen: v7x
topology: tpu7x:2x2x1
jax: 0.10.2.dev20260603
libtpu: 0.0.44.dev20260713+nightly
codegen_flags: <defaults>
</compile_context>

<pallas_src>
import functools

import jax
import jax.numpy as jnp
from jax import lax
from jax.experimental import pallas as pl
from jax.experimental.pallas import tpu as pltpu
from jax.experimental.pallas import tpu_sc as plsc

_F32 = jnp.float32

_CHUNK = 80
_TW = 80


def _sc_aggregate(tab, col_off, row2d, zer, n_nodes, n_edges):
    num_chunks = n_edges // _CHUNK
    n_sub = 16
    cps = num_chunks // n_sub
    npt = n_nodes // n_sub

    mesh = plsc.VectorSubcoreMesh(core_axis_name="c", subcore_axis_name="s")

    @functools.partial(
        pl.kernel,
        mesh=mesh,
        out_type=(
            jax.ShapeDtypeStruct((n_nodes, _TW), _F32),
            jax.ShapeDtypeStruct((n_nodes, _TW), _F32),
        ),
        scratch_types=[
            pltpu.VMEM((cps, _CHUNK), jnp.int32),
            pltpu.VMEM((cps, _CHUNK), jnp.int32),
            pltpu.VMEM((_CHUNK, _TW), _F32),
            pltpu.VMEM((_CHUNK, _TW), _F32),
            pltpu.VMEM((_CHUNK, _TW), _F32),
            pltpu.VMEM((_CHUNK, _TW), _F32),
            pltpu.VMEM_SHARED((n_nodes, _TW), _F32),
            pltpu.SemaphoreType.DMA,
            pltpu.SemaphoreType.DMA,
            pltpu.SemaphoreType.DMA,
            pltpu.SemaphoreType.DMA,
            pltpu.SemaphoreType.DMA,
            pltpu.SemaphoreType.DMA,
            pltpu.SemaphoreType.DMA,
            pltpu.SemaphoreType.DMA,
        ],
        compiler_params=pltpu.CompilerParams(use_tc_tiling_on_sc=False),
    )
    def sc_kernel(tab_hbm, col_hbm, row_hbm, zer_hbm, out0, out1,
                  col_vm, row_vm, rv0, rv1, rv2, rv3, agg_sh,
                  sg0, sg1, sg2, sg3, ss0, ss1, ss2, ss3):
        cid = lax.axis_index("c")
        sid = lax.axis_index("s")
        node_sl = pl.ds(sid * npt, npt)
        rows_v = (rv0, rv1, rv2, rv3)
        sem_g = (sg0, sg1, sg2, sg3)
        sem_s = (ss0, ss1, ss2, ss3)

        stage = pl.ds(sid * cps, cps)
        pltpu.sync_copy(col_hbm.at[cid, stage], col_vm)
        pltpu.sync_copy(row_hbm.at[stage], row_vm)
        pltpu.sync_copy(zer_hbm.at[node_sl], agg_sh.at[node_sl])
        plsc.subcore_barrier()

        def gather_start(j, b):
            pltpu.async_copy(tab_hbm.at[col_vm.at[j]], rows_v[b], sem_g[b])

        def gather_wait(j, b):
            pltpu.make_async_copy(
                tab_hbm.at[col_vm.at[j]], rows_v[b], sem_g[b]).wait()

        def scatter_start(j, b):
            del j, b

        def scatter_wait(j, b):
            del j, b

        gather_start(0, 0)
        gather_start(1, 1)

        def chunk_step(j, u):
            @pl.when(j + 2 < cps)
            def _():
                @pl.when(j >= 2)
                def _():
                    scatter_wait(j - 2, (u + 2) % 4)

                gather_start(j + 2, (u + 2) % 4)

            gather_wait(j, u)
            scatter_start(j, u)

        def outer(g, carry):
            for u in range(4):
                chunk_step(4 * g + u, u)
            return carry

        n_outer = cps // 4
        lax.fori_loop(0, n_outer, outer, 0)
        for u in range(4):
            jj = 4 * n_outer + u
            if jj < cps:
                chunk_step(jj, u)
        for u in range(4):
            jj = cps - 4 + u
            if jj >= 0:
                scatter_wait(jj, jj % 4)
        plsc.subcore_barrier()

        @pl.when(cid == 0)
        def _():
            pltpu.sync_copy(agg_sh.at[node_sl], out0.at[node_sl])

        @pl.when(cid == 1)
        def _():
            pltpu.sync_copy(agg_sh.at[node_sl], out1.at[node_sl])

    return sc_kernel(tab, col_off, row2d, zer)


def _prep_body(a0_ref, a1_ref, b_ref):
    deg = jnp.maximum(a0_ref[:, 64], 1.0)
    inv = (1.0 / deg)[:, None]
    b_ref[...] = jnp.concatenate([a0_ref[:, :64], a1_ref[:, :64]], axis=1) * inv


def _tc_prep(agg0, agg1, n_nodes, d_feat, blk=1000):
    return pl.pallas_call(
        _prep_body,
        grid=(n_nodes // blk,),
        in_specs=[
            pl.BlockSpec((blk, _TW), lambda n: (n, 0)),
            pl.BlockSpec((blk, _TW), lambda n: (n, 0)),
        ],
        out_specs=pl.BlockSpec((blk, d_feat), lambda n: (n, 0)),
        out_shape=jax.ShapeDtypeStruct((n_nodes, d_feat), _F32),
    )(agg0, agg1)


def _mm_body(w_ref, b_ref, o_ref):
    o_ref[...] = jnp.maximum(
        jnp.dot(
            w_ref[...], b_ref[...],
            preferred_element_type=_F32,
            precision=jax.lax.Precision.DEFAULT,
        ),
        0.0,
    )


def _tc_matmul(W, b, n_nodes, d_feat, nb=400):
    grid = (n_nodes // nb,)
    return pl.pallas_call(
        _mm_body,
        grid=grid,
        in_specs=[
            pl.BlockSpec((nb, n_nodes), lambda n: (n, 0)),
            pl.BlockSpec((n_nodes, d_feat), lambda n: (0, 0)),
        ],
        out_specs=pl.BlockSpec((nb, d_feat), lambda n: (n, 0)),
        out_shape=jax.ShapeDtypeStruct((n_nodes, d_feat), _F32),
    )(W, b)


def kernel(x, adj, W):
    d_feat, n_nodes = x.shape
    n_edges = adj.shape[1]
    half = d_feat // 2

    xt = x.T
    ones = jnp.ones((n_nodes, 1), _F32)
    zpad = jnp.zeros((n_nodes, _TW - half - 1), _F32)
    tab0 = jnp.concatenate([xt[:, :half], ones, zpad], axis=1)
    tab1 = jnp.concatenate([xt[:, half:], zpad, jnp.zeros((n_nodes, 1), _F32)],
                           axis=1)
    tab = jnp.concatenate([tab0, tab1], axis=0)

    row2d = adj[0].reshape(n_edges // _CHUNK, _CHUNK)
    col2d = adj[1].reshape(n_edges // _CHUNK, _CHUNK)
    col_off = jnp.stack([col2d, col2d + n_nodes])
    zer = jnp.zeros((n_nodes, _TW), _F32)

    agg0, agg1 = _sc_aggregate(tab, col_off, row2d, zer, n_nodes, n_edges)

    b = _tc_prep(agg0, agg1, n_nodes, d_feat)
    out_t = _tc_matmul(W, b, n_nodes, d_feat)
    return out_t.T

# --- scband reference (transcript-rebuilt; emitter-appended) ---
"""Pipeline reference for scband-otgnnlayer-91173565759714 (READ-ONLY COPY).

The authoritative reference and input builder live on the scoring server;
editing this copy changes nothing except your own understanding.
"""

import jax, jax.numpy as jnp
import numpy as np

N = 10000
D = 128
E = 320000

def setup_inputs(seed: int = 0):
    key = jax.random.key(seed)
    kx, ka, kw = jax.random.split(key, 3)
    x = jax.random.normal(kx, (D, N), dtype=jnp.float32)
    adj = jax.random.randint(ka, (2, E), 0, N, dtype=jnp.int32)
    W = jax.random.normal(kw, (N, N), dtype=jnp.float32) * 0.01
    return {"x": x, "adj": adj, "W": W}

def reference(x, adj, W):
    # row, col = adj
    row = adj[0]
    col = adj[1]
    n = x.shape[1]
    # deg = bincount(row, minlength=n).float().clamp(min=1)
    deg = jnp.maximum(jnp.bincount(row, length=n).astype(x.dtype), 1.0)
    # agg = spmm(adj, ones(E), n, n, x.T): out[row] += 1.0 * x.T[col]
    msgs = jnp.take(x.T, col, axis=0)            # [E, D] gather
    agg = jax.ops.segment_sum(msgs, row, num_segments=n)  # [n, D] scatter-add
    # agg = agg.T / deg  -> [D, n] normalized per node
    agg = agg.T / deg
    # relu(lin(agg)) with Linear(in_feats=n, n, bias=False)
    return jax.nn.relu(agg @ W.T)

if __name__ == "__main__":
    import jax
    _d = setup_inputs()
    print(jax.jit(kernel)(*tuple(_d.values())))

</pallas_src>

<mosaic_0001>
#map = affine_map<(d0, d1) -> (0, 0)>
#map1 = affine_map<(d0, d1) -> (0, 0, 0)>
module attributes {stable_mosaic.version = 14 : i64} {
  func.func @sc_kernel(%arg0: i32, %arg1: i32, %arg2: memref<20000x80xf32, #tpu.memory_space<hbm>>, %arg3: memref<2x4000x80xi32, #tpu.memory_space<hbm>>, %arg4: memref<4000x80xi32, #tpu.memory_space<hbm>>, %arg5: memref<10000x80xf32, #tpu.memory_space<hbm>>, %arg6: memref<10000x80xf32, #tpu.memory_space<hbm>>, %arg7: memref<10000x80xf32, #tpu.memory_space<hbm>>, %arg8: memref<250x80xi32, #tpu.memory_space<vmem>>, %arg9: memref<250x80xi32, #tpu.memory_space<vmem>>, %arg10: memref<80x80xf32, #tpu.memory_space<vmem>>, %arg11: memref<80x80xf32, #tpu.memory_space<vmem>>, %arg12: memref<80x80xf32, #tpu.memory_space<vmem>>, %arg13: memref<80x80xf32, #tpu.memory_space<vmem>>, %arg14: memref<10000x80xf32, #tpu.memory_space<vmem_shared>>, %arg15: memref<!tpu.dma_semaphore, #tpu.memory_space<semaphore_mem>>, %arg16: memref<!tpu.dma_semaphore, #tpu.memory_space<semaphore_mem>>, %arg17: memref<!tpu.dma_semaphore, #tpu.memory_space<semaphore_mem>>, %arg18: memref<!tpu.dma_semaphore, #tpu.memory_space<semaphore_mem>>, %arg19: memref<!tpu.dma_semaphore, #tpu.memory_space<semaphore_mem>>, %arg20: memref<!tpu.dma_semaphore, #tpu.memory_space<semaphore_mem>>, %arg21: memref<!tpu.dma_semaphore, #tpu.memory_space<semaphore_mem>>, %arg22: memref<!tpu.dma_semaphore, #tpu.memory_space<semaphore_mem>>) attributes {dimension_semantics = [#tpu.dimension_semantics<core_parallel>, #tpu.dimension_semantics<subcore_parallel>], iteration_bounds = array<i64: 2, 16>, scalar_prefetch = 0 : i64, scratch_operands = 15 : i64, tpu.core_type = #tpu.core_type<sc_vector_subcore>, window_params = [{transform_indices = #map}, {transform_indices = #map1}, {transform_indices = #map}, {transform_indices = #map}, {transform_indices = #map}, {transform_indices = #map}]} {
    %mul3A = arith.constant 625 : i32
    %mul3A_0 = arith.muli %arg1, %mul3A : i32
    %mul3A_1 = arith.constant 250 : i32
    %mul3A_2 = arith.muli %arg1, %mul3A_1 : i32
    "tpu.region"() ({
      %run_scoped3A = tpu.sem_alloc : memref<!tpu.dma_semaphore, #tpu.memory_space<semaphore_mem>>
      %dma_start3A_42 = arith.constant 0 : i32
      %dma_start3A_43 = tpu.memref_slice %arg3[%arg0, %mul3A_2, %dma_start3A_42] : memref<2x4000x80xi32, #tpu.memory_space<hbm>> -> memref<1x250x80xi32, #tpu.memory_space<hbm>>
      %dma_start3A_44 = tpu.memref_squeeze %dma_start3A_43 : memref<1x250x80xi32, #tpu.memory_space<hbm>> -> memref<250x80xi32, #tpu.memory_space<hbm>>
      %dma_start3A_45 = arith.constant 0 : i32
      %dma_start3A_46 = tpu.memref_slice %arg3[%arg0, %mul3A_2, %dma_start3A_45] : memref<2x4000x80xi32, #tpu.memory_space<hbm>> -> memref<1x250x80xi32, #tpu.memory_space<hbm>>
      %dma_start3A_47 = tpu.memref_squeeze %dma_start3A_46 : memref<1x250x80xi32, #tpu.memory_space<hbm>> -> memref<250x80xi32, #tpu.memory_space<hbm>>
      tpu.enqueue_dma source(%dma_start3A_47 : memref<250x80xi32, #tpu.memory_space<hbm>>) target(%arg8 : memref<250x80xi32, #tpu.memory_space<vmem>>) target_semaphore(%run_scoped3A : memref<!tpu.dma_semaphore, #tpu.memory_space<semaphore_mem>>)
      %dma_wait3A_48 = arith.constant 0 : i32
      %dma_wait3A_49 = tpu.memref_slice %arg3[%arg0, %mul3A_2, %dma_wait3A_48] : memref<2x4000x80xi32, #tpu.memory_space<hbm>> -> memref<1x250x80xi32, #tpu.memory_space<hbm>>
      %dma_wait3A_50 = tpu.memref_squeeze %dma_wait3A_49 : memref<1x250x80xi32, #tpu.memory_space<hbm>> -> memref<250x80xi32, #tpu.memory_space<hbm>>
      %dma_wait3A_51 = arith.constant 0 : i32
      %dma_wait3A_52 = tpu.memref_slice %arg3[%arg0, %mul3A_2, %dma_wait3A_51] : memref<2x4000x80xi32, #tpu.memory_space<hbm>> -> memref<1x250x80xi32, #tpu.memory_space<hbm>>
      %dma_wait3A_53 = tpu.memref_squeeze %dma_wait3A_52 : memref<1x250x80xi32, #tpu.memory_space<hbm>> -> memref<250x80xi32, #tpu.memory_space<hbm>>
      tpu.wait_dma2 semaphore(%run_scoped3A : memref<!tpu.dma_semaphore, #tpu.memory_space<semaphore_mem>>) src(%dma_wait3A_53 : memref<250x80xi32, #tpu.memory_space<hbm>>) dst(%arg8 : memref<250x80xi32, #tpu.memory_space<vmem>>)
      tpu.yield
    }) : () -> ()
    "tpu.region"() ({
      %run_scoped3A = tpu.sem_alloc : memref<!tpu.dma_semaphore, #tpu.memory_space<semaphore_mem>>
      %dma_start3A_42 = arith.constant 0 : i32
      %dma_start3A_43 = tpu.memref_slice %arg4[%mul3A_2, %dma_start3A_42] : memref<4000x80xi32, #tpu.memory_space<hbm>> -> memref<250x80xi32, #tpu.memory_space<hbm>>
      %dma_start3A_44 = arith.constant 0 : i32
      %dma_start3A_45 = tpu.memref_slice %arg4[%mul3A_2, %dma_start3A_44] : memref<4000x80xi32, #tpu.memory_space<hbm>> -> memref<250x80xi32, #tpu.memory_space<hbm>>
      tpu.enqueue_dma source(%dma_start3A_45 : memref<250x80xi32, #tpu.memory_space<hbm>>) target(%arg9 : memref<250x80xi32, #tpu.memory_space<vmem>>) target_semaphore(%run_scoped3A : memref<!tpu.dma_semaphore, #tpu.memory_space<semaphore_mem>>)
      %dma_wait3A_46 = arith.constant 0 : i32
      %dma_wait3A_47 = tpu.memref_slice %arg4[%mul3A_2, %dma_wait3A_46] : memref<4000x80xi32, #tpu.memory_space<hbm>> -> memref<250x80xi32, #tpu.memory_space<hbm>>
      %dma_wait3A_48 = arith.constant 0 : i32
      %dma_wait3A_49 = tpu.memref_slice %arg4[%mul3A_2, %dma_wait3A_48] : memref<4000x80xi32, #tpu.memory_space<hbm>> -> memref<250x80xi32, #tpu.memory_space<hbm>>
      tpu.wait_dma2 semaphore(%run_scoped3A : memref<!tpu.dma_semaphore, #tpu.memory_space<semaphore_mem>>) src(%dma_wait3A_49 : memref<250x80xi32, #tpu.memory_space<hbm>>) dst(%arg9 : memref<250x80xi32, #tpu.memory_space<vmem>>)
      tpu.yield
    }) : () -> ()
    "tpu.region"() ({
      %run_scoped3A = tpu.sem_alloc : memref<!tpu.dma_semaphore, #tpu.memory_space<semaphore_mem>>
      %dma_start3A_42 = arith.constant 0 : i32
      %dma_start3A_43 = tpu.memref_slice %arg14[%mul3A_0, %dma_start3A_42] : memref<10000x80xf32, #tpu.memory_space<vmem_shared>> -> memref<625x80xf32, #tpu.memory_space<vmem_shared>>
      %dma_start3A_44 = arith.constant 0 : i32
      %dma_start3A_45 = tpu.memref_slice %arg5[%mul3A_0, %dma_start3A_44] : memref<10000x80xf32, #tpu.memory_space<hbm>> -> memref<625x80xf32, #tpu.memory_space<hbm>>
      tpu.enqueue_dma source(%dma_start3A_45 : memref<625x80xf32, #tpu.memory_space<hbm>>) target(%dma_start3A_43 : memref<625x80xf32, #tpu.memory_space<vmem_shared>>) target_semaphore(%run_scoped3A : memref<!tpu.dma_semaphore, #tpu.memory_space<semaphore_mem>>)
      %dma_wait3A_46 = arith.constant 0 : i32
      %dma_wait3A_47 = tpu.memref_slice %arg14[%mul3A_0, %dma_wait3A_46] : memref<10000x80xf32, #tpu.memory_space<vmem_shared>> -> memref<625x80xf32, #tpu.memory_space<vmem_shared>>
      %dma_wait3A_48 = arith.constant 0 : i32
      %dma_wait3A_49 = tpu.memref_slice %arg5[%mul3A_0, %dma_wait3A_48] : memref<10000x80xf32, #tpu.memory_space<hbm>> -> memref<625x80xf32, #tpu.memory_space<hbm>>
      tpu.wait_dma2 semaphore(%run_scoped3A : memref<!tpu.dma_semaphore, #tpu.memory_space<semaphore_mem>>) src(%dma_wait3A_49 : memref<625x80xf32, #tpu.memory_space<hbm>>) dst(%dma_wait3A_47 : memref<625x80xf32, #tpu.memory_space<vmem_shared>>)
      tpu.yield
    }) : () -> ()
    %barrier3A = arith.constant 0 : index
    tpu.barrier barrier_id(%barrier3A)
    %dma_start3A = arith.constant 0 : i32
    %dma_start3A_3 = arith.constant 0 : i32
    %dma_start3A_4 = tpu.memref_slice %arg8[%dma_start3A, %dma_start3A_3] : memref<250x80xi32, #tpu.memory_space<vmem>> -> memref<1x80xi32, #tpu.memory_space<vmem>>
    %dma_start3A_5 = tpu.memref_squeeze %dma_start3A_4 : memref<1x80xi32, #tpu.memory_space<vmem>> -> memref<80xi32, #tpu.memory_space<vmem>>
    %dma_start3A_6 = arith.constant 0 : i32
    %dma_start3A_7 = arith.constant 0 : i32
    %dma_start3A_8 = tpu.memref_slice %arg2[%dma_start3A_6, %dma_start3A_7] : memref<20000x80xf32, #tpu.memory_space<hbm>> -> memref<20000x80xf32, #tpu.memory_space<hbm>>
    tpu.enqueue_indirect_dma source(%dma_start3A_8 : memref<20000x80xf32, #tpu.memory_space<hbm>>) target(%arg10 : memref<80x80xf32, #tpu.memory_space<vmem>>) offsets(%dma_start3A_5 : memref<80xi32, #tpu.memory_space<vmem>>) semaphore(%arg15 : memref<!tpu.dma_semaphore, #tpu.memory_space<semaphore_mem>>)
    %dma_start3A_9 = arith.constant 1 : i32
    %dma_start3A_10 = arith.constant 0 : i32
    %dma_start3A_11 = tpu.memref_slice %arg8[%dma_start3A_9, %dma_start3A_10] : memref<250x80xi32, #tpu.memory_space<vmem>> -> memref<1x80xi32, #tpu.memory_space<vmem>>
    %dma_start3A_12 = tpu.memref_squeeze %dma_start3A_11 : memref<1x80xi32, #tpu.memory_space<vmem>> -> memref<80xi32, #tpu.memory_space<vmem>>
    %dma_start3A_13 = arith.constant 0 : i32
    %dma_start3A_14 = arith.constant 0 : i32
    %dma_start3A_15 = tpu.memref_slice %arg2[%dma_start3A_13, %dma_start3A_14] : memref<20000x80xf32, #tpu.memory_space<hbm>> -> memref<20000x80xf32, #tpu.memory_space<hbm>>
    tpu.enqueue_indirect_dma source(%dma_start3A_15 : memref<20000x80xf32, #tpu.memory_space<hbm>>) target(%arg11 : memref<80x80xf32, #tpu.memory_space<vmem>>) offsets(%dma_start3A_12 : memref<80xi32, #tpu.memory_space<vmem>>) semaphore(%arg16 : memref<!tpu.dma_semaphore, #tpu.memory_space<semaphore_mem>>)
    %scan3A = arith.constant 0 : i32
    %scan3A_16 = arith.constant 0 : i32
    %scan3A_17 = arith.constant 62 : i32
    %scan3A_18 = arith.addi %scan3A_16, %scan3A_17 : i32
    %scan3A_19 = arith.constant 1 : i32
    scf.for %scan3A_42 = %scan3A_16 to %scan3A_18 step %scan3A_19  : i32 {
      %mul3A_43 = arith.constant 4 : i32
      %mul3A_44 = arith.muli %mul3A_43, %scan3A_42 : i32
      %add3A = arith.constant 0 : i32
      %add3A_45 = arith.addi %mul3A_44, %add3A : i32
      %add3A_46 = arith.constant 2 : i32
      %add3A_47 = arith.addi %add3A_45, %add3A_46 : i32
      %lt3A = arith.constant 250 : i32
      %lt3A_48 = arith.cmpi slt, %add3A_47, %lt3A : i32
      %convert_element_type3A_49 = arith.extui %lt3A_48 : i1 to i32
      %cond3A_50 = arith.constant 0 : i32
      %cond3A_51 = arith.cmpi ne, %convert_element_type3A_49, %cond3A_50 : i32
      scf.if %cond3A_51 {
        %ge3A = arith.constant 2 : i32
        %ge3A_109 = arith.cmpi sge, %add3A_45, %ge3A : i32
        %convert_element_type3A_110 = arith.extui %ge3A_109 : i1 to i32
        %cond3A_111 = arith.constant 0 : i32
        %cond3A_112 = arith.cmpi ne, %convert_element_type3A_110, %cond3A_111 : i32
        scf.if %cond3A_112 {
          %sub3A = arith.constant 2 : i32
          %sub3A_121 = arith.subi %add3A_45, %sub3A : i32
        } else {
        }
        %add3A_113 = arith.constant 2 : i32
        %add3A_114 = arith.addi %add3A_45, %add3A_113 : i32
        %dma_start3A_115 = arith.constant 0 : i32
        %dma_start3A_116 = tpu.memref_slice %arg8[%add3A_114, %dma_start3A_115] : memref<250x80xi32, #tpu.memory_space<vmem>> -> memref<1x80xi32, #tpu.memory_space<vmem>>
        %dma_start3A_117 = tpu.memref_squeeze %dma_start3A_116 : memref<1x80xi32, #tpu.memory_space<vmem>> -> memref<80xi32, #tpu.memory_space<vmem>>
        %dma_start3A_118 = arith.constant 0 : i32
        %dma_start3A_119 = arith.constant 0 : i32
        %dma_start3A_120 = tpu.memref_slice %arg2[%dma_start3A_118, %dma_start3A_119] : memref<20000x80xf32, #tpu.memory_space<hbm>> -> memref<20000x80xf32, #tpu.memory_space<hbm>>
        tpu.enqueue_indirect_dma source(%dma_start3A_120 : memref<20000x80xf32, #tpu.memory_space<hbm>>) target(%arg12 : memref<80x80xf32, #tpu.memory_space<vmem>>) offsets(%dma_start3A_117 : memref<80xi32, #tpu.memory_space<vmem>>) semaphore(%arg17 : memref<!tpu.dma_semaphore, #tpu.memory_space<semaphore_mem>>)
      } else {
      }
      %dma_wait3A_52 = arith.constant 0 : i32
      %dma_wait3A_53 = tpu.memref_slice %arg8[%add3A_45, %dma_wait3A_52] : memref<250x80xi32, #tpu.memory_space<vmem>> -> memref<1x80xi32, #tpu.memory_space<vmem>>
      %dma_wait3A_54 = tpu.memref_squeeze %dma_wait3A_53 : memref<1x80xi32, #tpu.memory_space<vmem>> -> memref<80xi32, #tpu.memory_space<vmem>>
      %dma_wait3A_55 = arith.constant 0 : i32
      %dma_wait3A_56 = arith.constant 0 : i32
      %dma_wait3A_57 = tpu.memref_slice %arg2[%dma_wait3A_55, %dma_wait3A_56] : memref<20000x80xf32, #tpu.memory_space<hbm>> -> memref<20000x80xf32, #tpu.memory_space<hbm>>
      tpu.wait_indirect_dma semaphore(%arg15 : memref<!tpu.dma_semaphore, #tpu.memory_space<semaphore_mem>>) src(%dma_wait3A_57 : memref<20000x80xf32, #tpu.memory_space<hbm>>) dst(%arg10 : memref<80x80xf32, #tpu.memory_space<vmem>>)
      %mul3A_58 = arith.constant 4 : i32
      %mul3A_59 = arith.muli %mul3A_58, %scan3A_42 : i32
      %add3A_60 = arith.constant 1 : i32
      %add3A_61 = arith.addi %mul3A_59, %add3A_60 : i32
      %add3A_62 = arith.constant 2 : i32
      %add3A_63 = arith.addi %add3A_61, %add3A_62 : i32
      %lt3A_64 = arith.constant 250 : i32
      %lt3A_65 = arith.cmpi slt, %add3A_63, %lt3A_64 : i32
      %convert_element_type3A_66 = arith.extui %lt3A_65 : i1 to i32
      %cond3A_67 = arith.constant 0 : i32
      %cond3A_68 = arith.cmpi ne, %convert_element_type3A_66, %cond3A_67 : i32
      scf.if %cond3A_68 {
        %ge3A = arith.constant 2 : i32
        %ge3A_109 = arith.cmpi sge, %add3A_61, %ge3A : i32
        %convert_element_type3A_110 = arith.extui %ge3A_109 : i1 to i32
        %cond3A_111 = arith.constant 0 : i32
        %cond3A_112 = arith.cmpi ne, %convert_element_type3A_110, %cond3A_111 : i32
        scf.if %cond3A_112 {
          %sub3A = arith.constant 2 : i32
          %sub3A_121 = arith.subi %add3A_61, %sub3A : i32
        } else {
        }
        %add3A_113 = arith.constant 2 : i32
        %add3A_114 = arith.addi %add3A_61, %add3A_113 : i32
        %dma_start3A_115 = arith.constant 0 : i32
        %dma_start3A_116 = tpu.memref_slice %arg8[%add3A_114, %dma_start3A_115] : memref<250x80xi32, #tpu.memory_space<vmem>> -> memref<1x80xi32, #tpu.memory_space<vmem>>
        %dma_start3A_117 = tpu.memref_squeeze %dma_start3A_116 : memref<1x80xi32, #tpu.memory_space<vmem>> -> memref<80xi32, #tpu.memory_space<vmem>>
        %dma_start3A_118 = arith.constant 0 : i32
        %dma_start3A_119 = arith.constant 0 : i32
        %dma_start3A_120 = tpu.memref_slice %arg2[%dma_start3A_118, %dma_start3A_119] : memref<20000x80xf32, #tpu.memory_space<hbm>> -> memref<20000x80xf32, #tpu.memory_space<hbm>>
        tpu.enqueue_indirect_dma source(%dma_start3A_120 : memref<20000x80xf32, #tpu.memory_space<hbm>>) target(%arg13 : memref<80x80xf32, #tpu.memory_space<vmem>>) offsets(%dma_start3A_117 : memref<80xi32, #tpu.memory_space<vmem>>) semaphore(%arg18 : memref<!tpu.dma_semaphore, #tpu.memory_space<semaphore_mem>>)
      } else {
      }
      %dma_wait3A_69 = arith.constant 0 : i32
      %dma_wait3A_70 = tpu.memref_slice %arg8[%add3A_61, %dma_wait3A_69] : memref<250x80xi32, #tpu.memory_space<vmem>> -> memref<1x80xi32, #tpu.memory_space<vmem>>
      %dma_wait3A_71 = tpu.memref_squeeze %dma_wait3A_70 : memref<1x80xi32, #tpu.memory_space<vmem>> -> memref<80xi32, #tpu.memory_space<vmem>>
      %dma_wait3A_72 = arith.constant 0 : i32
      %dma_wait3A_73 = arith.constant 0 : i32
      %dma_wait3A_74 = tpu.memref_slice %arg2[%dma_wait3A_72, %dma_wait3A_73] : memref<20000x80xf32, #tpu.memory_space<hbm>> -> memref<20000x80xf32, #tpu.memory_space<hbm>>
      tpu.wait_indirect_dma semaphore(%arg16 : memref<!tpu.dma_semaphore, #tpu.memory_space<semaphore_mem>>) src(%dma_wait3A_74 : memref<20000x80xf32, #tpu.memory_space<hbm>>) dst(%arg11 : memref<80x80xf32, #tpu.memory_space<vmem>>)
      %mul3A_75 = arith.constant 4 : i32
      %mul3A_76 = arith.muli %mul3A_75, %scan3A_42 : i32
      %add3A_77 = arith.constant 2 : i32
      %add3A_78 = arith.addi %mul3A_76, %add3A_77 : i32
      %add3A_79 = arith.constant 2 : i32
      %add3A_80 = arith.addi %add3A_78, %add3A_79 : i32
      %lt3A_81 = arith.constant 250 : i32
      %lt3A_82 = arith.cmpi slt, %add3A_80, %lt3A_81 : i32
      %convert_element_type3A_83 = arith.extui %lt3A_82 : i1 to i32
      %cond3A_84 = arith.constant 0 : i32
      %cond3A_85 = arith.cmpi ne, %convert_element_type3A_83, %cond3A_84 : i32
      scf.if %cond3A_85 {
        %ge3A = arith.constant 2 : i32
        %ge3A_109 = arith.cmpi sge, %add3A_78, %ge3A : i32
        %convert_element_type3A_110 = arith.extui %ge3A_109 : i1 to i32
        %cond3A_111 = arith.constant 0 : i32
        %cond3A_112 = arith.cmpi ne, %convert_element_type3A_110, %cond3A_111 : i32
        scf.if %cond3A_112 {
          %sub3A = arith.constant 2 : i32
          %sub3A_121 = arith.subi %add3A_78, %sub3A : i32
        } else {
        }
        %add3A_113 = arith.constant 2 : i32
        %add3A_114 = arith.addi %add3A_78, %add3A_113 : i32
        %dma_start3A_115 = arith.constant 0 : i32
        %dma_start3A_116 = tpu.memref_slice %arg8[%add3A_114, %dma_start3A_115] : memref<250x80xi32, #tpu.memory_space<vmem>> -> memref<1x80xi32, #tpu.memory_space<vmem>>
        %dma_start3A_117 = tpu.memref_squeeze %dma_start3A_116 : memref<1x80xi32, #tpu.memory_space<vmem>> -> memref<80xi32, #tpu.memory_space<vmem>>
        %dma_start3A_118 = arith.constant 0 : i32
        %dma_start3A_119 = arith.constant 0 : i32
        %dma_start3A_120 = tpu.memref_slice %arg2[%dma_start3A_118, %dma_start3A_119] : memref<20000x80xf32, #tpu.memory_space<hbm>> -> memref<20000x80xf32, #tpu.memory_space<hbm>>
        tpu.enqueue_indirect_dma source(%dma_start3A_120 : memref<20000x80xf32, #tpu.memory_space<hbm>>) target(%arg10 : memref<80x80xf32, #tpu.memory_space<vmem>>) offsets(%dma_start3A_117 : memref<80xi32, #tpu.memory_space<vmem>>) semaphore(%arg15 : memref<!tpu.dma_semaphore, #tpu.memory_space<semaphore_mem>>)
      } else {
      }
      %dma_wait3A_86 = arith.constant 0 : i32
      %dma_wait3A_87 = tpu.memref_slice %arg8[%add3A_78, %dma_wait3A_86] : memref<250x80xi32, #tpu.memory_space<vmem>> -> memref<1x80xi32, #tpu.memory_space<vmem>>
      %dma_wait3A_88 = tpu.memref_squeeze %dma_wait3A_87 : memref<1x80xi32, #tpu.memory_space<vmem>> -> memref<80xi32, #tpu.memory_space<vmem>>
      %dma_wait3A_89 = arith.constant 0 : i32
      %dma_wait3A_90 = arith.constant 0 : i32
      %dma_wait3A_91 = tpu.memref_slice %arg2[%dma_wait3A_89, %dma_wait3A_90] : memref<20000x80xf32, #tpu.memory_space<hbm>> -> memref<20000x80xf32, #tpu.memory_space<hbm>>
      tpu.wait_indirect_dma semaphore(%arg17 : memref<!tpu.dma_semaphore, #tpu.memory_space<semaphore_mem>>) src(%dma_wait3A_91 : memref<20000x80xf32, #tpu.memory_space<hbm>>) dst(%arg12 : memref<80x80xf32, #tpu.memory_space<vmem>>)
      %mul3A_92 = arith.constant 4 : i32
      %mul3A_93 = arith.muli %mul3A_92, %scan3A_42 : i32
      %add3A_94 = arith.constant 3 : i32
      %add3A_95 = arith.addi %mul3A_93, %add3A_94 : i32
      %add3A_96 = arith.constant 2 : i32
      %add3A_97 = arith.addi %add3A_95, %add3A_96 : i32
      %lt3A_98 = arith.constant 250 : i32
      %lt3A_99 = arith.cmpi slt, %add3A_97, %lt3A_98 : i32
      %convert_element_type3A_100 = arith.extui %lt3A_99 : i1 to i32
      %cond3A_101 = arith.constant 0 : i32
      %cond3A_102 = arith.cmpi ne, %convert_element_type3A_100, %cond3A_101 : i32
      scf.if %cond3A_102 {
        %ge3A = arith.constant 2 : i32
        %ge3A_109 = arith.cmpi sge, %add3A_95, %ge3A : i32
        %convert_element_type3A_110 = arith.extui %ge3A_109 : i1 to i32
        %cond3A_111 = arith.constant 0 : i32
        %cond3A_112 = arith.cmpi ne, %convert_element_type3A_110, %cond3A_111 : i32
        scf.if %cond3A_112 {
          %sub3A = arith.constant 2 : i32
          %sub3A_121 = arith.subi %add3A_95, %sub3A : i32
        } else {
        }
        %add3A_113 = arith.constant 2 : i32
        %add3A_114 = arith.addi %add3A_95, %add3A_113 : i32
        %dma_start3A_115 = arith.constant 0 : i32
        %dma_start3A_116 = tpu.memref_slice %arg8[%add3A_114, %dma_start3A_115] : memref<250x80xi32, #tpu.memory_space<vmem>> -> memref<1x80xi32, #tpu.memory_space<vmem>>
        %dma_start3A_117 = tpu.memref_squeeze %dma_start3A_116 : memref<1x80xi32, #tpu.memory_space<vmem>> -> memref<80xi32, #tpu.memory_space<vmem>>
        %dma_start3A_118 = arith.constant 0 : i32
        %dma_start3A_119 = arith.constant 0 : i32
        %dma_start3A_120 = tpu.memref_slice %arg2[%dma_start3A_118, %dma_start3A_119] : memref<20000x80xf32, #tpu.memory_space<hbm>> -> memref<20000x80xf32, #tpu.memory_space<hbm>>
        tpu.enqueue_indirect_dma source(%dma_start3A_120 : memref<20000x80xf32, #tpu.memory_space<hbm>>) target(%arg11 : memref<80x80xf32, #tpu.memory_space<vmem>>) offsets(%dma_start3A_117 : memref<80xi32, #tpu.memory_space<vmem>>) semaphore(%arg16 : memref<!tpu.dma_semaphore, #tpu.memory_space<semaphore_mem>>)
      } else {
      }
      %dma_wait3A_103 = arith.constant 0 : i32
      %dma_wait3A_104 = tpu.memref_slice %arg8[%add3A_95, %dma_wait3A_103] : memref<250x80xi32, #tpu.memory_space<vmem>> -> memref<1x80xi32, #tpu.memory_space<vmem>>
      %dma_wait3A_105 = tpu.memref_squeeze %dma_wait3A_104 : memref<1x80xi32, #tpu.memory_space<vmem>> -> memref<80xi32, #tpu.memory_space<vmem>>
      %dma_wait3A_106 = arith.constant 0 : i32
      %dma_wait3A_107 = arith.constant 0 : i32
      %dma_wait3A_108 = tpu.memref_slice %arg2[%dma_wait3A_106, %dma_wait3A_107] : memref<20000x80xf32, #tpu.memory_space<hbm>> -> memref<20000x80xf32, #tpu.memory_space<hbm>>
      tpu.wait_indirect_dma semaphore(%arg18 : memref<!tpu.dma_semaphore, #tpu.memory_space<semaphore_mem>>) src(%dma_wait3A_108 : memref<20000x80xf32, #tpu.memory_space<hbm>>) dst(%arg13 : memref<80x80xf32, #tpu.memory_space<vmem>>)
    }
    %scan3A_20 = arith.constant 62 : i32
    %dma_wait3A = arith.constant 248 : i32
    %dma_wait3A_21 = arith.constant 0 : i32
    %dma_wait3A_22 = tpu.memref_slice %arg8[%dma_wait3A, %dma_wait3A_21] : memref<250x80xi32, #tpu.memory_space<vmem>> -> memref<1x80xi32, #tpu.memory_space<vmem>>
    %dma_wait3A_23 = tpu.memref_squeeze %dma_wait3A_22 : memref<1x80xi32, #tpu.memory_space<vmem>> -> memref<80xi32, #tpu.memory_space<vmem>>
    %dma_wait3A_24 = arith.constant 0 : i32
    %dma_wait3A_25 = arith.constant 0 : i32
    %dma_wait3A_26 = tpu.memref_slice %arg2[%dma_wait3A_24, %dma_wait3A_25] : memref<20000x80xf32, #tpu.memory_space<hbm>> -> memref<20000x80xf32, #tpu.memory_space<hbm>>
    tpu.wait_indirect_dma semaphore(%arg15 : memref<!tpu.dma_semaphore, #tpu.memory_space<semaphore_mem>>) src(%dma_wait3A_26 : memref<20000x80xf32, #tpu.memory_space<hbm>>) dst(%arg10 : memref<80x80xf32, #tpu.memory_space<vmem>>)
    %dma_wait3A_27 = arith.constant 249 : i32
    %dma_wait3A_28 = arith.constant 0 : i32
    %dma_wait3A_29 = tpu.memref_slice %arg8[%dma_wait3A_27, %dma_wait3A_28] : memref<250x80xi32, #tpu.memory_space<vmem>> -> memref<1x80xi32, #tpu.memory_space<vmem>>
    %dma_wait3A_30 = tpu.memref_squeeze %dma_wait3A_29 : memref<1x80xi32, #tpu.memory_space<vmem>> -> memref<80xi32, #tpu.memory_space<vmem>>
    %dma_wait3A_31 = arith.constant 0 : i32
    %dma_wait3A_32 = arith.constant 0 : i32
    %dma_wait3A_33 = tpu.memref_slice %arg2[%dma_wait3A_31, %dma_wait3A_32] : memref<20000x80xf32, #tpu.memory_space<hbm>> -> memref<20000x80xf32, #tpu.memory_space<hbm>>
    tpu.wait_indirect_dma semaphore(%arg16 : memref<!tpu.dma_semaphore, #tpu.memory_space<semaphore_mem>>) src(%dma_wait3A_33 : memref<20000x80xf32, #tpu.memory_space<hbm>>) dst(%arg11 : memref<80x80xf32, #tpu.memory_space<vmem>>)
    %barrier3A_34 = arith.constant 0 : index
    tpu.barrier barrier_id(%barrier3A_34)
    %eq3A = arith.constant 0 : i32
    %eq3A_35 = arith.cmpi eq, %arg0, %eq3A : i32
    %convert_element_type3A = arith.extui %eq3A_35 : i1 to i32
    %cond3A = arith.constant 0 : i32
    %cond3A_36 = arith.cmpi ne, %convert_element_type3A, %cond3A : i32
    scf.if %cond3A_36 {
      "tpu.region"() ({
        %run_scoped3A = tpu.sem_alloc : memref<!tpu.dma_semaphore, #tpu.memory_space<semaphore_mem>>
        %dma_start3A_42 = arith.constant 0 : i32
        %dma_start3A_43 = tpu.memref_slice %arg6[%mul3A_0, %dma_start3A_42] : memref<10000x80xf32, #tpu.memory_space<hbm>> -> memref<625x80xf32, #tpu.memory_space<hbm>>
        %dma_start3A_44 = arith.constant 0 : i32
        %dma_start3A_45 = tpu.memref_slice %arg14[%mul3A_0, %dma_start3A_44] : memref<10000x80xf32, #tpu.memory_space<vmem_shared>> -> memref<625x80xf32, #tpu.memory_space<vmem_shared>>
        tpu.enqueue_dma source(%dma_start3A_45 : memref<625x80xf32, #tpu.memory_space<vmem_shared>>) target(%dma_start3A_43 : memref<625x80xf32, #tpu.memory_space<hbm>>) target_semaphore(%run_scoped3A : memref<!tpu.dma_semaphore, #tpu.memory_space<semaphore_mem>>)
        %dma_wait3A_46 = arith.constant 0 : i32
        %dma_wait3A_47 = tpu.memref_slice %arg6[%mul3A_0, %dma_wait3A_46] : memref<10000x80xf32, #tpu.memory_space<hbm>> -> memref<625x80xf32, #tpu.memory_space<hbm>>
        %dma_wait3A_48 = arith.constant 0 : i32
        %dma_wait3A_49 = tpu.memref_slice %arg14[%mul3A_0, %dma_wait3A_48] : memref<10000x80xf32, #tpu.memory_space<vmem_shared>> -> memref<625x80xf32, #tpu.memory_space<vmem_shared>>
        tpu.wait_dma2 semaphore(%run_scoped3A : memref<!tpu.dma_semaphore, #tpu.memory_space<semaphore_mem>>) src(%dma_wait3A_49 : memref<625x80xf32, #tpu.memory_space<vmem_shared>>) dst(%dma_wait3A_47 : memref<625x80xf32, #tpu.memory_space<hbm>>)
        tpu.yield
      }) : () -> ()
    } else {
    }
    %eq3A_37 = arith.constant 1 : i32
    %eq3A_38 = arith.cmpi eq, %arg0, %eq3A_37 : i32
    %convert_element_type3A_39 = arith.extui %eq3A_38 : i1 to i32
    %cond3A_40 = arith.constant 0 : i32
    %cond3A_41 = arith.cmpi ne, %convert_element_type3A_39, %cond3A_40 : i32
    scf.if %cond3A_41 {
      "tpu.region"() ({
        %run_scoped3A = tpu.sem_alloc : memref<!tpu.dma_semaphore, #tpu.memory_space<semaphore_mem>>
        %dma_start3A_42 = arith.constant 0 : i32
        %dma_start3A_43 = tpu.memref_slice %arg7[%mul3A_0, %dma_start3A_42] : memref<10000x80xf32, #tpu.memory_space<hbm>> -> memref<625x80xf32, #tpu.memory_space<hbm>>
        %dma_start3A_44 = arith.constant 0 : i32
        %dma_start3A_45 = tpu.memref_slice %arg14[%mul3A_0, %dma_start3A_44] : memref<10000x80xf32, #tpu.memory_space<vmem_shared>> -> memref<625x80xf32, #tpu.memory_space<vmem_shared>>
        tpu.enqueue_dma source(%dma_start3A_45 : memref<625x80xf32, #tpu.memory_space<vmem_shared>>) target(%dma_start3A_43 : memref<625x80xf32, #tpu.memory_space<hbm>>) target_semaphore(%run_scoped3A : memref<!tpu.dma_semaphore, #tpu.memory_space<semaphore_mem>>)
        %dma_wait3A_46 = arith.constant 0 : i32
        %dma_wait3A_47 = tpu.memref_slice %arg7[%mul3A_0, %dma_wait3A_46] : memref<10000x80xf32, #tpu.memory_space<hbm>> -> memref<625x80xf32, #tpu.memory_space<hbm>>
        %dma_wait3A_48 = arith.constant 0 : i32
        %dma_wait3A_49 = tpu.memref_slice %arg14[%mul3A_0, %dma_wait3A_48] : memref<10000x80xf32, #tpu.memory_space<vmem_shared>> -> memref<625x80xf32, #tpu.memory_space<vmem_shared>>
        tpu.wait_dma2 semaphore(%run_scoped3A : memref<!tpu.dma_semaphore, #tpu.memory_space<semaphore_mem>>) src(%dma_wait3A_49 : memref<625x80xf32, #tpu.memory_space<vmem_shared>>) dst(%dma_wait3A_47 : memref<625x80xf32, #tpu.memory_space<hbm>>)
        tpu.yield
      }) : () -> ()
    } else {
    }
    return
  }
}

module attributes {stable_mosaic.version = 14 : i64} {
  func.func @_prep_body(%arg0: i32, %arg1: memref<1000x80xf32, #tpu.memory_space<vmem>>, %arg2: memref<1000x80xf32, #tpu.memory_space<vmem>>, %arg3: memref<1000x128xf32, #tpu.memory_space<vmem>>) attributes {dimension_semantics = [#tpu.dimension_semantics<arbitrary>], iteration_bounds = array<i64: 10>, scalar_prefetch = 0 : i64, scratch_operands = 0 : i64, tpu.core_type = #tpu.core_type<tc>, window_params = [{transform_indices = @transform_0, window_bounds = array<i64: 1000, 80>}, {transform_indices = @transform_1, window_bounds = array<i64: 1000, 80>}, {transform_indices = @transform_2, window_bounds = array<i64: 1000, 128>}]} {
    %get3A = arith.constant 0 : index
    %get3A_0 = arith.constant 64 : index
    %get3A_1 = vector.load %arg1[%get3A, %get3A_0] : memref<1000x80xf32, #tpu.memory_space<vmem>>, vector<1000x1xf32>
    %get3A_2 = vector.shape_cast %get3A_1 : vector<1000x1xf32> to vector<1000xf32>
    %max3A = arith.constant 1.000000e+00 : f32
    %max3A_3 = vector.broadcast %max3A : f32 to vector<1000xf32>
    %max3A_4 = arith.maximumf %get3A_2, %max3A_3 : vector<1000xf32>
    %div3A = arith.constant 1.000000e+00 : f32
    %div3A_5 = vector.broadcast %div3A : f32 to vector<1000xf32>
    %div3A_6 = arith.divf %div3A_5, %max3A_4 : vector<1000xf32>
    %broadcast_in_dim3A = vector.shape_cast %div3A_6 : vector<1000xf32> to vector<1000x1xf32>
    %get3A_7 = arith.constant 0 : index
    %get3A_8 = arith.constant 0 : index
    %get3A_9 = vector.load %arg1[%get3A_7, %get3A_8] : memref<1000x80xf32, #tpu.memory_space<vmem>>, vector<1000x64xf32>
    %get3A_10 = arith.constant 0 : index
    %get3A_11 = arith.constant 0 : index
    %get3A_12 = vector.load %arg2[%get3A_10, %get3A_11] : memref<1000x80xf32, #tpu.memory_space<vmem>>, vector<1000x64xf32>
    %concatenate3A = tpu.concatenate %get3A_9, %get3A_12 in 1 : vector<1000x64xf32>, vector<1000x64xf32> -> vector<1000x128xf32>
    %mul3A = vector.broadcast %broadcast_in_dim3A : vector<1000x1xf32> to vector<1000x128xf32>
    %mul3A_13 = arith.mulf %concatenate3A, %mul3A : vector<1000x128xf32>
    %swap3A = arith.constant 0 : index
    %swap3A_14 = arith.constant 0 : index
    %swap3A_15 = vector.load %arg3[%swap3A, %swap3A_14] : memref<1000x128xf32, #tpu.memory_space<vmem>>, vector<1000x128xf32>
    tpu.vector_store %arg3[%swap3A, %swap3A_14], %mul3A_13 {strides = array<i32>} : memref<1000x128xf32, #tpu.memory_space<vmem>>, vector<1000x128xf32>,
    return
  }
  func.func @transform_0(%arg0: i32) -> (i32, i32) {
    %c0_i32 = arith.constant 0 : i32
    %c0_i32_0 = arith.constant 0 : i32
    return %arg0, %c0_i32 : i32, i32
  }
  func.func @transform_1(%arg0: i32) -> (i32, i32) {
    %c0_i32 = arith.constant 0 : i32
    %c0_i32_0 = arith.constant 0 : i32
    return %arg0, %c0_i32 : i32, i32
  }
  func.func @transform_2(%arg0: i32) -> (i32, i32) {
    %c0_i32 = arith.constant 0 : i32
    %c0_i32_0 = arith.constant 0 : i32
    return %arg0, %c0_i32 : i32, i32
  }
}

module attributes {stable_mosaic.version = 14 : i64} {
  func.func @_mm_body(%arg0: i32, %arg1: memref<400x10000xf32, #tpu.memory_space<vmem>>, %arg2: memref<10000x128xf32, #tpu.memory_space<vmem>>, %arg3: memref<400x128xf32, #tpu.memory_space<vmem>>) attributes {dimension_semantics = [#tpu.dimension_semantics<arbitrary>], iteration_bounds = array<i64: 25>, scalar_prefetch = 0 : i64, scratch_operands = 0 : i64, tpu.core_type = #tpu.core_type<tc>, window_params = [{transform_indices = @transform_0, window_bounds = array<i64: 400, 10000>}, {pipeline_mode = #tpu.pipeline_mode<synchronous>, transform_indices = @transform_1, window_bounds = array<i64: 10000, 128>}, {transform_indices = @transform_2, window_bounds = array<i64: 400, 128>}]} {
    %get3A = arith.constant 0 : index
    %get3A_0 = arith.constant 0 : index
    %get3A_1 = vector.load %arg1[%get3A, %get3A_0] : memref<400x10000xf32, #tpu.memory_space<vmem>>, vector<400x10000xf32>
    %get3A_2 = arith.constant 0 : index
    %get3A_3 = arith.constant 0 : index
    %get3A_4 = vector.load %arg2[%get3A_2, %get3A_3] : memref<10000x128xf32, #tpu.memory_space<vmem>>, vector<10000x128xf32>
    %dot_general3A = arith.constant dense<0.000000e+00> : vector<400x128xf32>
    %dot_general3A_5 = tpu.matmul %get3A_1, %get3A_4, %dot_general3A {dimension_numbers = #tpu.dot_dimension_numbers<[1], [0], [0], [1], [0, 0, 1, 1], [], []>, transpose_lhs_hint = false} : vector<400x10000xf32>, vector<10000x128xf32>, vector<400x128xf32> -> vector<400x128xf32>
    %max3A = arith.constant 0.000000e+00 : f32
    %max3A_6 = vector.broadcast %max3A : f32 to vector<400x128xf32>
    %max3A_7 = arith.maximumf %dot_general3A_5, %max3A_6 : vector<400x128xf32>
    %swap3A = arith.constant 0 : index
    %swap3A_8 = arith.constant 0 : index
    %swap3A_9 = vector.load %arg3[%swap3A, %swap3A_8] : memref<400x128xf32, #tpu.memory_space<vmem>>, vector<400x128xf32>
    tpu.vector_store %arg3[%swap3A, %swap3A_8], %max3A_7 {strides = array<i32>} : memref<400x128xf32, #tpu.memory_space<vmem>>, vector<400x128xf32>,
    return
  }
  func.func @transform_0(%arg0: i32) -> (i32, i32) {
    %c0_i32 = arith.constant 0 : i32
    %c0_i32_0 = arith.constant 0 : i32
    return %arg0, %c0_i32 : i32, i32
  }
  func.func @transform_1(%arg0: i32) -> (i32, i32) {
    %c0_i32 = arith.constant 0 : i32
    %c0_i32_0 = arith.constant 0 : i32
    %c0_i32_1 = arith.constant 0 : i32
    return %c0_i32, %c0_i32_0 : i32, i32
  }
  func.func @transform_2(%arg0: i32) -> (i32, i32) {
    %c0_i32 = arith.constant 0 : i32
    %c0_i32_0 = arith.constant 0 : i32
    return %arg0, %c0_i32 : i32, i32
  }
}

</mosaic_0001>

<sc_bundles>
// kernel: kernel.5.cloned.1.call-start
scs
__scs_entry_jumppad:
0x0: {  	(pc) =	sbr.rel $0x88, $3  }
0x1: {  	(tag) =	ssettag $0x0;
	lr =	simm.s32 $0x1  }
0x2: {  	[smem:$0x3F9E] =	sst lr;
	_ =	strace $0xD0000000  }
0x3: {  	_ = 	snop  }
0x4: {  	_ = 	snop  }
0x5: {  	_ = 	snop  }
0x6: {  	_ = 	snop  }
0x7: {  	_ = 	snop  }
__scs_overlays_trampoline_lowered:
0x8: {  	[smem:$0x3FAD] =	sst s0  }
0x9: {  	[smem:$0x3FAE] =	sst s1  }
0xa: {  	[smem:$0x3FAF] =	sst s2  }
0xb: {  	[smem:$0x3FB0] =	sst s3  }
0xc: {  	[smem:$0x3FB1] =	sst s4  }
0xd: {  	[smem:$0x3FB2] =	sst s5  }
0xe: {  	[smem:$0x3FB3] =	sst s6  }
0xf: {  	[smem:$0x3FB4] =	sst s7  }
0x10: {  	[smem:$0x3FB5] =	sst s8  }
0x11: {  	[smem:$0x3FB6] =	sst s9;
	s0 =	simm.s32 @!p0 $0x0  }
0x12: {  	s1 =	sld [smem:$0x3F9C];
	s0 =	simm.s32 @p0 $0x1  }
0x13: {  	[smem:$0x3FB7] =	sst s0;
	s0 =	simm.s32 @!p1 $0x0  }
0x14: {  	s2 =	sld [smem:$0x3F9B];
	s0 =	simm.s32 @p1 $0x1  }
0x15: {  	[smem:$0x3FB8] =	sst s0;
	s0 =	simm.s32 @!p2 $0x0  }
0x16: {  	s3 =	sld [smem:$0x3FDB];
	s0 =	simm.s32 @p2 $0x1  }
0x17: {  	s4 =	simm.s32 $0x1BF5;
	[smem:$0x3FBA] =	sst s0  }
0x18: {  	s0 =	sld [smem:$0x3F9D];
	_ =	swait.ge [sflag:s4], $0x0  }
0x19: {  	s7 =	sld [smem:$0x3F9E]  }
0x1a: {  	s8 =	sadd.s32 $0xFFFFE003, lr  }
0x1b: {  	s9 =	sadd.s32 $0xFFFFFEF7, lr;
	s5 =	simm.s32 $0xFFFFFFFF;
	p2 =	slt.u32 s8, $0xFFFFF086  }
0x1c: {  	p1 =	slt.u32 s9, $0xF7A;
	s5 =	simm.s32 @!p2 $0x0  }
0x1d: {  	s5 =	simm.s32 @p1 $0x1;
	p0 =	seq.s32 s7, s2  }
0x1e: {  	s7 =	smul.u32 @!p0 $0xF7A, s2;
	p2 =	seq.s32 @!p0 s5, $0x0  }
0x1f: {  	s9 =	smul.u32 $0xF7A, s1;
	s8 =	simm.s32 @!p0 $0x1BF5;
	p2 =	por !p2, p0  }
0x20: {  	[sflag:s8] =	ssyncset.s32 @!p0 $0xFFFFF086;
	s6 =	sadd.s32 @!p0 s3, s7;
	s7 =	simm.s32 @!p0 $0x108  }
0x21: {  	s3 =	sadd.s32 s3, s9;
	s6 =	sadd.s32 @!p0 $0x88, s6;
	s7 =	simm.s32 @p2 $0x1082  }
0x22: {  	[simem:s7], [sflag:s8] =	dma.local @!p0 [hbm:s6], $0xF7A  }
0x23: {  	s9 =	sor.u32 $0xD0000000, s2;
	s6 =	simm.s32 $0x108;
	_ =	swait.ge @!p0 [sflag:s8], $0x0  }
0x24: {  	s3 =	sadd.s32 $0x88, s3;
	s6 =	simm.s32 @!p1 $0x1082;
	[sflag:s4] =	ssyncset.s32 $0xFFFFF086  }
0x25: {  	[simem:s6], [sflag:s4] =	dma.local [hbm:s3], $0xF7A  }
0x26: {  	[smem:$0x3F9E] =	sst s1;
	(tag) =	ssettag s2;
	_ =	strace s9  }
0x27: {  	s1 =	sld [smem:$0x3FAE]  }
0x28: {  	s2 =	sld [smem:$0x3FAF]  }
0x29: {  	s4 =	sld [smem:$0x3FB1]  }
0x2a: {  	p0 =	seq.s32 s5, $0x0;
	s5 =	sld [smem:$0x3FB2]  }
0x2b: {  	s6 =	sld [smem:$0x3FB3]  }
0x2c: {  	s7 =	sld [smem:$0x3FB4]  }
0x2d: {  	s3 =	simm.s32 $0x108;
	s8 =	sld [smem:$0x3FB5]  }
0x2e: {  	s3 =	simm.s32 @!p0 $0x1082;
	s9 =	sld [smem:$0x3FB6]  }
0x2f: {  	lr =	sadd.s32 s0, s3;
	s0 =	sld [smem:$0x3FAD]  }
0x30: {  	s3 =	sld [smem:$0x3FB0]  }
0x31: {  	[smem:$0x3FB9] =	sst s10  }
0x32: {  	s10 =	sld [smem:$0x3FB7];
	_ =	sdelay $0x3  }
0x33: {  	p0 =	seq.s32 s10, $0x1;
	s10 =	sld [smem:$0x3FB9];
	_ =	sdelay $0x3  }
0x34: {  	[smem:$0x3FB9] =	sst s10  }
0x35: {  	s10 =	sld [smem:$0x3FB8];
	_ =	sdelay $0x3  }
0x36: {  	p1 =	seq.s32 s10, $0x1;
	s10 =	sld [smem:$0x3FB9];
	_ =	sdelay $0x3  }
0x37: {  	[smem:$0x3FB9] =	sst s10  }
0x38: {  	s10 =	sld [smem:$0x3FBA]  }
0x39: {  	_ = 	snop;
	(pc) =	sbr.ind lr, $3  }
0x3a: {  	_ = 	snop  }
0x3b: {  	_ = 	snop  }
0x3c: {  	p2 =	seq.s32 s10, $0x1;
	s10 =	sld [smem:$0x3FB9]  }
0x3d: {  	_ =	shalt  }
0x3e: {  	_ =	shalt  }
0x3f: {  	_ =	shalt  }
0x40: {  	_ =	shalt  }
0x41: {  	_ =	shalt  }
0x42: {  	_ =	shalt  }
0x43: {  	_ =	shalt  }
0x44: {  	_ =	shalt  }
0x45: {  	_ =	shalt  }
0x46: {  	_ =	shalt  }
0x47: {  	_ =	shalt  }
0x48: {  	_ =	shalt  }
0x49: {  	_ =	shalt  }
0x4a: {  	_ =	shalt  }
0x4b: {  	_ =	shalt  }
0x4c: {  	_ =	shalt  }
0x4d: {  	_ =	shalt  }
0x4e: {  	_ =	shalt  }
0x4f: {  	_ =	shalt  }
0x50: {  	_ =	shalt  }
0x51: {  	_ =	shalt  }
0x52: {  	_ =	shalt  }
0x53: {  	_ =	shalt  }
0x54: {  	_ =	shalt  }
0x55: {  	_ =	shalt  }
0x56: {  	_ =	shalt  }
0x57: {  	_ =	shalt  }
0x58: {  	_ =	shalt  }
0x59: {  	_ =	shalt  }
0x5a: {  	_ =	shalt  }
0x5b: {  	_ =	shalt  }
0x5c: {  	_ =	shalt  }
0x5d: {  	_ =	shalt  }
0x5e: {  	_ =	shalt  }
0x5f: {  	_ =	shalt  }
0x60: {  	_ =	shalt  }
0x61: {  	_ =	shalt  }
0x62: {  	_ =	shalt  }
0x63: {  	_ =	shalt  }
0x64: {  	_ =	shalt  }
0x65: {  	_ =	shalt  }
0x66: {  	_ =	shalt  }
0x67: {  	_ =	shalt  }
0x68: {  	_ =	shalt  }
0x69: {  	_ =	shalt  }
0x6a: {  	_ =	shalt  }
0x6b: {  	_ =	shalt  }
0x6c: {  	_ =	shalt  }
0x6d: {  	_ =	shalt  }
0x6e: {  	_ =	shalt  }
0x6f: {  	_ =	shalt  }
0x70: {  	_ =	shalt  }
0x71: {  	_ =	shalt  }
0x72: {  	_ =	shalt  }
0x73: {  	_ =	shalt  }
0x74: {  	_ =	shalt  }
0x75: {  	_ =	shalt  }
0x76: {  	_ =	shalt  }
0x77: {  	_ =	shalt  }
0x78: {  	_ =	shalt  }
0x79: {  	_ =	shalt  }
0x7a: {  	_ =	shalt  }
0x7b: {  	_ =	shalt  }
0x7c: {  	_ =	shalt  }
0x7d: {  	_ =	shalt  }
0x7e: {  	_ =	shalt  }
0x7f: {  	_ =	shalt  }
0x80: {  	_ =	shalt  }
0x81: {  	_ =	shalt  }
0x82: {  	_ =	shalt  }
0x83: {  	_ =	shalt  }
0x84: {  	_ =	shalt  }
0x85: {  	_ =	shalt  }
0x86: {  	_ =	shalt  }
0x87: {  	_ =	shalt  }
.Lfunc_end0:
.L_simem_size_0:
called_computation_lowered:
.L_overlay_start_0:
0x88: {  	s2 =	sld [smem:$0x3FD9]  }
0x89: {  	s3 =	sld [smem:$0x3FFE];
	_ =	sdelay $0x1  }
0x8a: {  	s1 =	srdreg.scid  }
0x8b: {  	s0 =	sand.u32 $0x1, s1  }
0x8c: {  	s17 =	sshll.u32 s0, $0xA;
	s2 =	sadd.s32 s3, s2  }
0x8d: {  	s2 =	sadd.s32 s2, s17  }
0x8e: {  	[smem:$0x3FC5] =	sst s2  }
0x8f: {  	_ = 	snop  }
0x90: {  	s2 =	sld [smem:$0x3FD0];
	(tm) =	ssettm $0x1  }
0x91: {  	s18 =	sld [smem:$0x3FFB];
	_ =	sdelay $0x3  }
0x92: {  	_ =	strace s18  }
0x93: {  	s3 =	sld [smem:$0x3FFC];
	_ =	sdelay $0x3  }
0x94: {  	_ =	strace s3  }
0x95: {  	s3 =	sld [smem:$0x3FFD];
	_ =	sdelay $0x3  }
0x96: {  	_ =	strace s3  }
0x97: {  	_ =	strace $0x8FFFFFFF  }
0x98: {  	s19 =	sld [smem:$0x3FDB];
	_ =	sdelay $0x1  }
0x99: {  	s4 =	simm.s32 $_scs_section_size  }
0x9a: {  	s5 =	simm.s32 $_size__tile_overlayer_lowered;
	s6 =	simm.s32 $_tile_overlayer_lowered  }
0x9b: {  	s22 =	simm.s32 $0x1BFF;
	s21 =	sshll.u32 s6, $0x1;
	s3 =	sadd.s32 s4, s19  }
0x9c: {  	s7 =	simm.s32 $0x0;
	s20 =	sshll.u32 s5, $0x1;
	s5 =	sadd.s32 s21, s3  }
0x9d: {  	[timem:s7], [sflag:s22] =	dma.local [hbm:s5], s20  }
0x9e: {  	_ =	swait.ge [sflag:s22], s20  }
0x9f: {  	s4 =	ssub.s32 $0x0, s20;
	[sflag:s22] =	ssyncset.done $0x0  }
0xa0: {  	[sflag:s22] =	ssyncadd.s32 s4;
	_ =	sdelay $0x1  }
0xa1: {  	s23 =	simm.s32 $0x1B8B  }
0xa2: {  	_ =	swait.ge [sflag:s23], $0x1  }
0xa3: {  	[sflag:s23] =	ssyncset.done $0x0  }
0xa4: {  	s25 =	simm.s32 $0x1B8E;
	s24 =	sld [smem:$0x3FFE];
	[sflag:s23] =	ssyncadd.s32 $0xFFFFFFFF  }
0xa5: {  	s26 =	simm.s32 $execute0_lowered;
	[smem:$0x3FD2] =	sst s25  }
0xa6: {  	s5 =	sshll.u32 s26, $0x1;
	_ =	strace $0x80000046;
	[dreg:$0x1] =	wrdreg $0xFFFFFFFF  }
0xa7: {  	s28 =	simm.s32 $_size_execute0_lowered;
	s3 =	sadd.s32 s3, s5;
	[dreg:$0x0] =	wrdreg $0x0  }
0xa8: {  	s5 =	sshll.u32 s28, $0x1;
	[dreg:$0x2] =	wrdreg s3  }
0xa9: {  	[dreg:$0x3] =	wrdreg s5  }
0xaa: {  	[dreg:$0x4] =	wrdreg $0xC0  }
0xab: {  	_ =	task [dreg:s7], $0x5FFFF  }
0xac: {  	[dreg:$0x1] =	wrdreg $0xFFFFFFFF  }
0xad: {  	[dreg:$0x0] =	wrdreg $0x60  }
0xae: {  	[dreg:$0x2] =	wrdreg s24  }
0xaf: {  	[dreg:$0x3] =	wrdreg s2  }
0xb0: {  	[dreg:$0x4] =	wrdreg $0x100400  }
0xb1: {  	[dreg:$0x5] =	wrdreg $0x9  }
0xb2: {  	_ =	task.clear_ibuf [dreg:s7], $0x6FFFF;
	_ =	strace $0x90000046  }
0xb3: {  	s29 =	simm.s32 $0x9;
	_ =	strace $0x80000048  }
0xb4: {  	_ =	swait.ge [sflag:s29], $0x1  }
0xb5: {  	[sflag:s29] =	ssyncadd.s32 $0xFFFFFFFF  }
0xb6: {  	_ =	strace $0x90000048  }
0xb7: {  	_ =	sfence  }
0xb8: {  	s30 =	sld [smem:$0x0];
	_ =	sdelay $0x2  }
0xb9: {  	s31 =	sshll.u32 s1, $0xD;
	s1 =	sshrl.u32 s1, $0x2  }
0xba: {  	s3 =	sand.u32 $0x4000, s31;
	s1 =	sadd.s32 s1, s30  }
0xbb: {  	s0 =	sor.u32 s3, s0;
	s1 =	sshll.u32 s1, $0x11  }
0xbc: {  	s0 =	sor.u32 s1, s0  }
0xbd: {  	s0 =	sadd.s32 $0x8F2B, s0  }
0xbe: {  	[sflag:s0] =	ssyncadd.remote.s32 $0x1  }
0xbf: {  	_ =	sfence.sel $0xFFFF  }
0xc0: {  	[dreg:$0x0] =	wrdreg $0xFFFFFFFF;
	(pc) =	sbr.abs _section_cstart, $3  }
0xc1: {  	[dreg:$0x1] =	wrdreg $0xFFFFFFFF  }
0xc2: {  	_ =	task.clear_ibuf [dreg:s7], $0x2FFFF;
	_ =	strace $0x9FFFFFFF  }
0xc3: {  	(tm) =	ssettm $0x7FFFFFFF  }
tec
execute0_lowered:
.L_overlay_start_1:
0x0: {  	(tag) =	ssettag $0x1  }
0x1: {  	s6 =	rddreg [dreg:$0x0]  }
0x2: {  	s7 =	rddreg [dreg:$0x1]  }
0x3: {  	s8 =	rddreg [dreg:$0x2]  }
0x4: {  	s0 =	rddreg [dreg:$0x3]  }
0x5: {  	s3 =	srdreg.scid;
	s1 =	stileid.u32  }
0x6: {  	s2 =	simm.s32 $0x0;
	s12 =	simm.s32 $0x67400;
	s14 =	simm.s32 $0x9C40  }
0x7: {  	s15 =	simm.s32 $0xB540;
	s16 =	simm.s32 $0xCE40;
	s17 =	simm.s32 $0x1  }
0x8: {  	s18 =	simm.s32 $0xE740;
	s19 =	simm.s32 $0x2;
	s20 =	simm.s32 $0x3  }
0x9: {  	s21 =	simm.s32 $0x4;
	s22 =	simm.s32 $0x0;
	s5 =	smul.u32 $0x4E20, s1  }
0xa: {  	s4 =	sand.u32 $0x1, s3;
	[smem:$0x7FF] =	sst s2;
	s28 =	smul.u32 $0xC350, s1  }
0xb: {  	s3 =	sadd.s32 $0x600, s6;
	s31 =	sshll.u32 s1, $0x6;
	s9 =	smul.u32 $0x4E200, s4  }
0xc: {  	_ =	strace $0x80000047;
	s10 =	ssub.s32 $0x2, s4;
	p0 =	seq.s32 s4, $0x1  }
0xd: {  	s11 =	sshrl.u32 s10, $0x1;
	s12 =	simm.s32 @!p0 $0x4EC00;
	s13 =	sadd.s32 s28, s8  }
0xe: {  	s29 =	sshrl.u32 s28, $0x3;
	s9 =	sadd.s32 s5, s9;
	s5 =	sshrl.u32 s5, $0x3  }
0xf: {  	s10 =	ssub.s32 s10, s11;
	s30 =	sadd.s32 s12, s6;
	s11 =	sor.u32 $0x1C05, s31  }
0x10: {  	s12 =	sshrl.u32 s13, $0x3;
	s13 =	simm.s32 $0x50;
	s9 =	sshrl.u32 s9, $0x3  }
0x11: {  	s5 =	sadd.s32 s5, s6;
	s8 =	sadd.s32 s30, s29;
	s9 =	sadd.s32 s9, s6  }
0x12: {  	s5 =	sadd.s32 $0x31400, s5;
	s6 =	sadd.s32 s7, s29;
	s7 =	smax.u32 s10, $0x1  }
0x13: {  	s10 =	simm.s32 $0x4E20;
	s4 =	sadd.s32 $0x3B200, s9;
	s9 =	simm.s32 $0x5  }
.LBB2_1:
0x14: {  	[tilespmem:s2], [sflag:$0x5] =	stream.linear.gather [hbm4b:s4+s2], $0x4E20, $0x38;
	[tilespmem:$0x1C390] =	vst v63  }
0x15: {  	_ =	swait.ge [sflag:s9], $0x4E20  }
0x16: {  	[sflag:s9] =	ssyncset.done $0x0  }
0x17: {  	[sflag:s9] =	ssyncadd.s32 $0xFFFFB1E0  }
0x18: {  	[tilespmem:s10], [sflag:$0x5] =	stream.linear.gather [hbm4b:s5+s2], $0x4E20, $0x38;
	[tilespmem:$0x1C390] =	vst v63  }
0x19: {  	_ =	swait.ge [sflag:s9], $0x4E20  }
0x1a: {  	[sflag:s9] =	ssyncset.done $0x0  }
0x1b: {  	[sflag:s9] =	ssyncadd.s32 $0xFFFFB1E0  }
0x1c: {  	[spmem:s12], [sflag:s11] =	dma.local [hbm:s6], $0x186A  }
0x1d: {  	_ =	swait.ge [sflag:s9], $0x186A  }
0x1e: {  	[sflag:s9] =	ssyncset.done $0x0  }
0x1f: {  	[sflag:s9] =	ssyncadd.s32 $0xFFFFE796  }
0x20: {  	[bflag:$0x0] =	sbarrier.arrive $0xFFFF  }
0x21: {  	[tilespmem:s14], [sflag:$0x1] =	stream.indirect.gather [hbm4b:s3+s13], $0x50, s2, s13, $0xb8;
	[tilespmem:$0x1C390] =	vst v63  }
0x22: {  	_ = 	snop  }
0x23: {  	[tilespmem:s15], [sflag:$0x2] =	stream.indirect.gather [hbm4b:s3+s13], $0x50, s13, s13, $0xb8;
	[tilespmem:$0x1C390] =	vst v63  }
0x24: {  	s23 =	simm.s32 $0xA0  }
0x25: {  	[tilespmem:s16], [sflag:$0x3] =	stream.indirect.gather [hbm4b:s3+s13], $0x50, s23, s13, $0xb8;
	[tilespmem:$0x1C390] =	vst v63  }
0x26: {  	_ =	swait.ge [sflag:s17], $0x1900  }
0x27: {  	[sflag:s17] =	ssyncset.done $0x0  }
0x28: {  	s29 =	simm.s32 $0xF0;
	[sflag:s17] =	ssyncadd.s32 $0xFFFFE700  }
0x29: {  	[tilespmem:s18], [sflag:$0x4] =	stream.indirect.gather [hbm4b:s3+s13], $0x50, s29, s13, $0xb8;
	[tilespmem:$0x1C390] =	vst v63  }
0x2a: {  	_ =	swait.ge [sflag:s19], $0x1900  }
0x2b: {  	[sflag:s19] =	ssyncset.done $0x0  }
0x2c: {  	s30 =	simm.s32 $0x140;
	[sflag:s19] =	ssyncadd.s32 $0xFFFFE700  }
0x2d: {  	[tilespmem:s14], [sflag:$0x1] =	stream.indirect.gather [hbm4b:s3+s13], $0x50, s30, s13, $0xb8;
	[tilespmem:$0x1C390] =	vst v63  }
0x2e: {  	_ =	swait.ge [sflag:s20], $0x1900  }
0x2f: {  	[sflag:s20] =	ssyncset.done $0x0  }
0x30: {  	s31 =	simm.s32 $0x190;
	[sflag:s20] =	ssyncadd.s32 $0xFFFFE700  }
0x31: {  	[tilespmem:s15], [sflag:$0x2] =	stream.indirect.gather [hbm4b:s3+s13], $0x50, s31, s13, $0xb8;
	[tilespmem:$0x1C390] =	vst v63  }
0x32: {  	_ =	swait.ge [sflag:s21], $0x1900  }
0x33: {  	s24 =	simm.s32 $0xFFFED400;
	s23 =	simm.s32 $0xFFFFB3C0;
	[sflag:s21] =	ssyncset.done $0x0  }
.LBB2_2:
0x34: {  	s25 =	sadd.s32 $0x4E20, s23  }
0x35: {  	[sflag:s21] =	ssyncadd.s32 $0xFFFFE700;
	s26 =	smov.u32 s24;
	s28 =	sadd.s32 $0x500, s24  }
0x36: {  	[tilespmem:s16], [sflag:$0x3] =	stream.indirect.gather [hbm4b:s3+s13], $0x50, s25, s13, $0xb8;
	[tilespmem:$0x1C390] =	vst v63  }
0x37: {  	p0 =	sne.s32 s24, $0xFFFFFB00;
	_ =	swait.ge [sflag:s17], $0x1900  }
0x38: {  	[sflag:s17] =	ssyncset.done $0x0  }
0x39: {  	s24 =	sadd.s32 $0x4E70, s23;
	[sflag:s17] =	ssyncadd.s32 $0xFFFFE700  }
0x3a: {  	[tilespmem:s18], [sflag:$0x4] =	stream.indirect.gather [hbm4b:s3+s13], $0x50, s24, s13, $0xb8;
	[tilespmem:$0x1C390] =	vst v63  }
0x3b: {  	_ =	swait.ge [sflag:s19], $0x1900  }
0x3c: {  	[sflag:s19] =	ssyncset.done $0x0  }
0x3d: {  	s24 =	sadd.s32 $0x4EC0, s23;
	[sflag:s19] =	ssyncadd.s32 $0xFFFFE700  }
0x3e: {  	[tilespmem:s14], [sflag:$0x1] =	stream.indirect.gather [hbm4b:s3+s13], $0x50, s24, s13, $0xb8;
	[tilespmem:$0x1C390] =	vst v63  }
0x3f: {  	_ =	swait.ge [sflag:s20], $0x1900  }
.Ltmp0:
0x40: {  	[sflag:s20] =	ssyncset.done $0x0;
	(pc) =	sbr.rel @p0 .LBB2_2-.Ltmp0, $4  }
0x41: {  	s23 =	sadd.s32 $0x4F10, s23;
	[sflag:s20] =	ssyncadd.s32 $0xFFFFE700  }
0x42: {  	[tilespmem:s15], [sflag:$0x2] =	stream.indirect.gather [hbm4b:s3+s13], $0x50, s23, s13, $0xb8;
	[tilespmem:$0x1C390] =	vst v63  }
0x43: {  	_ =	swait.ge [sflag:s21], $0x1900  }
0x44: {  	s24 =	smov.u32 s28;
	s23 =	sshra.s32 s26, $0x2;
	[sflag:s21] =	ssyncset.done $0x0  }
0x45: {  	s24 =	sadd.s32 $0x4E20, s23;
	[sflag:s21] =	ssyncadd.s32 $0xFFFFE700  }
0x46: {  	[tilespmem:s16], [sflag:$0x3] =	stream.indirect.gather [hbm4b:s3+s13], $0x50, s24, s13, $0xb8;
	[tilespmem:$0x1C390] =	vst v63  }
0x47: {  	_ =	swait.ge [sflag:s17], $0x1900  }
0x48: {  	[sflag:s17] =	ssyncset.done $0x0  }
0x49: {  	s29 =	sadd.s32 $0x4E70, s23;
	[sflag:s17] =	ssyncadd.s32 $0xFFFFE700  }
0x4a: {  	[tilespmem:s18], [sflag:$0x4] =	stream.indirect.gather [hbm4b:s3+s13], $0x50, s29, s13, $0xb8;
	[tilespmem:$0x1C390] =	vst v63  }
0x4b: {  	_ =	swait.ge [sflag:s19], $0x1900  }
0x4c: {  	[sflag:s19] =	ssyncset.done $0x0  }
0x4d: {  	s30 =	sadd.s32 $0x4EC0, s23;
	[sflag:s19] =	ssyncadd.s32 $0xFFFFE700  }
0x4e: {  	[tilespmem:s14], [sflag:$0x1] =	stream.indirect.gather [hbm4b:s3+s13], $0x50, s30, s13, $0xb8;
	[tilespmem:$0x1C390] =	vst v63  }
0x4f: {  	_ =	swait.ge [sflag:s20], $0x1900  }
0x50: {  	[sflag:s20] =	ssyncset.done $0x0  }
0x51: {  	s31 =	sadd.s32 $0x4F10, s23;
	[sflag:s20] =	ssyncadd.s32 $0xFFFFE700  }
0x52: {  	[tilespmem:s15], [sflag:$0x2] =	stream.indirect.gather [hbm4b:s3+s13], $0x50, s31, s13, $0xb8;
	[tilespmem:$0x1C390] =	vst v63  }
0x53: {  	_ =	swait.ge [sflag:s21], $0x1900  }
0x54: {  	[sflag:s21] =	ssyncset.done $0x0  }
0x55: {  	[sflag:s21] =	ssyncadd.s32 $0xFFFFE700  }
0x56: {  	_ =	swait.ge [sflag:s17], $0x1900  }
0x57: {  	[sflag:s17] =	ssyncset.done $0x0  }
0x58: {  	[sflag:s17] =	ssyncadd.s32 $0xFFFFE700  }
0x59: {  	_ =	swait.ge [sflag:s19], $0x1900  }
0x5a: {  	s22 =	sadd.s32 $0x1, s22;
	[sflag:s19] =	ssyncset.done $0x0  }
0x5b: {  	p0 =	sne.s32 s22, s7;
	[sflag:s19] =	ssyncadd.s32 $0xFFFFE700  }
.Ltmp1:
0x5c: {  	[bflag:$0x0] =	sbarrier.arrive $0xFFFF;
	(pc) =	sbr.rel @p0 .LBB2_1-.Ltmp1, $4  }
0x5d: {  	[hbm:s8], [sflag:s11] =	dma.local [spmem:s12], $0x186A  }
0x5e: {  	_ =	swait.ge [sflag:s9], $0x186A  }
0x5f: {  	[sflag:s9] =	ssyncset.done $0x0  }
0x60: {  	[sflag:s9] =	ssyncadd.s32 $0xFFFFE796  }
0x61: {  	_ =	sfence.sel $0x180000  }
0x62: {  	[bflag:$0x0] =	sbarrier.arrive $0xFFFF  }
0x63: {  	p0 =	sne.s32 s1, $0x0;
	_ =	strace $0x90000047  }
0x64: {  	s0 =	sadd.s32 @!p0 $0x100000, s0;
	[bflag:$0x2] =	sbarrier.arrive $0xFFFF  }
0x65: {  	[sflag:s0] =	ssyncadd.tile.s32 @!p0 $0x1;
	_ =	shalt  }
.Lfunc_end2:
_tile_overlayer_lowered:
.L_overlay_start_2:
0x66: {  	(tag) =	ssettag $0x2  }
0x67: {  	s0 =	rddreg [dreg:$0x0];
	s2 =	stileid.u32  }
0x68: {  	s1 =	rddreg [dreg:$0x1];
	p0 =	sne.s32 s2, $0x0  }
0x69: {  	s3 =	rddreg [dreg:$0x2];
	[bflag:$0x3] =	sbarrier.arrive $0xFFFF;
	s2 =	simm.s32 @!p0 $0x1C05  }
0x6a: {  	[timem:s3], [sflag:s2] =	dma.local @!p0 [hbm:s0], s1  }
0x6b: {  	s0 =	simm.s32 @!p0 $0x5  }
0x6c: {  	_ =	swait.ge @!p0 [sflag:s0], s1  }
0x6d: {  	s1 =	ssub.s32 @!p0 $0x0, s1;
	[sflag:s0] =	ssyncset.done @!p0 $0x0  }
0x6e: {  	[sflag:s0] =	ssyncadd.s32 @!p0 s1  }
0x6f: {  	[bflag:$0x3] =	sbarrier.arrive $0xFFFF  }
0x70: {  	_ =	shalt  }

</sc_bundles>
